<compile_context>
chip_gen: v7x
topology: tpu7x:2x2x1
jax: 0.10.2.dev20260603
libtpu: 0.0.44.dev20260713+nightly
codegen_flags: <defaults>
</compile_context>

<pallas_src>
import functools

import jax
import jax.numpy as jnp
from jax import lax
from jax.experimental import pallas as pl
from jax.experimental.pallas import tpu as pltpu
from jax.experimental.pallas import tpu_sc as plsc

_SBLK = 512
_P = 16


def _tc_add_kernel(x_ref, pe_ref, o_ref):
    o_ref[...] = x_ref[...] + pe_ref[...][None, :, :]


def _tc_add(x, pe, nb):
    B, S, D = x.shape
    return pl.pallas_call(
        _tc_add_kernel,
        grid=(S // _SBLK,),
        in_specs=[
            pl.BlockSpec((nb, _SBLK, D), lambda i: (0, i, 0)),
            pl.BlockSpec((_SBLK, D), lambda i: (i, 0)),
        ],
        out_specs=pl.BlockSpec((nb, _SBLK, D), lambda i: (0, i, 0)),
        out_shape=jax.ShapeDtypeStruct((nb, S, D), x.dtype),
        compiler_params=pltpu.CompilerParams(
            dimension_semantics=("parallel",),
        ),
    )(x, pe)


def _sc_add(x, pe):
    B, S, D = x.shape
    mesh = plsc.VectorSubcoreMesh(core_axis_name="c", subcore_axis_name="s")
    nw = mesh.num_cores * mesh.num_subcores
    rows_per_w = S // nw
    nchunks = rows_per_w // _P
    dchunks = D // 16

    scratch = (
        [pltpu.VMEM((_P, D), jnp.float32) for _ in range(2)]
        + [pltpu.VMEM((_P, D), jnp.float32) for _ in range(2)]
        + [pltpu.VMEM((_P, D), jnp.float32) for _ in range(2)]
        + [pltpu.SemaphoreType.DMA for _ in range(6)]
    )

    @functools.partial(
        pl.kernel,
        out_type=jax.ShapeDtypeStruct((1, S, D), jnp.float32),
        mesh=mesh,
        scratch_types=scratch,
    )
    def run(x_hbm, pe_hbm, out_hbm, *bufs):
        xin = bufs[0:2]
        xout = bufs[2:4]
        pebuf = bufs[4:6]
        in_sem = bufs[6:8]
        out_sem = bufs[8:10]
        pe_sem = bufs[10:12]

        wid = lax.axis_index("s") * mesh.num_cores + lax.axis_index("c")
        base = wid * rows_per_w

        def seq0(c):
            return base + c * _P

        def pe_copy(c, par):
            return pltpu.make_async_copy(
                pe_hbm.at[pl.ds(seq0(c), _P)], pebuf[par], pe_sem[par]
            )

        def in_copy(c, par):
            return pltpu.make_async_copy(
                x_hbm.at[B - 1, pl.ds(seq0(c), _P)], xin[par], in_sem[par]
            )

        def out_copy(c, par):
            return pltpu.make_async_copy(
                xout[par], out_hbm.at[0, pl.ds(seq0(c), _P)], out_sem[par]
            )

        for par in range(2):
            pe_copy(par, par).start()
            in_copy(par, par).start()

        def chunk_pair(c0, _):
            for par in range(2):
                c = 2 * c0 + par
                pe_copy(c, par).wait()
                in_copy(c, par).wait()
                pl.when(c >= 2)(lambda par=par, c=c: out_copy(c - 2, par).wait())
                pe_v = pebuf[par]
                xi = xin[par]
                xo = xout[par]

                @plsc.parallel_loop(0, _P * dchunks, 1, unroll=8)
                def _add(k, xi=xi, xo=xo, pe_v=pe_v):
                    i = k & (_P - 1)
                    j = k >> 4
                    sl = pl.ds(j * 16, 16)
                    xo[i, sl] = xi[i, sl] + pe_v[i, sl]

                out_copy(c, par).start()

                def _prefetch(c=c, par=par):
                    in_copy(c + 2, par).start()
                    pe_copy(c + 2, par).start()

                pl.when(c + 2 < nchunks)(_prefetch)
            return 0

        lax.fori_loop(0, nchunks // 2, chunk_pair, 0)

        for par in range(2):
            out_copy(nchunks - 2 + par, par).wait()

    return run(x, pe)


def kernel(x, pe_weight):
    B, S, D = x.shape
    out_sc = _sc_add(x, pe_weight)
    out_tc = _tc_add(x, pe_weight, B - 1)
    return out_tc, out_sc

# --- scband reference (transcript-rebuilt; emitter-appended) ---
"""Pipeline reference for scband-learnable-positional-encoding-23785528885373 (READ-ONLY COPY).

The authoritative reference and input builder live on the scoring server;
editing this copy changes nothing except your own understanding.
"""

import jax, jax.numpy as jnp
import numpy as np


def setup_inputs(seed: int = 0) -> dict:
    key = jax.random.key(seed)
    k1, k2 = jax.random.split(key)
    x = jax.random.normal(k1, (4, 8192, 768), dtype=jnp.float32)
    # nn.Embedding(max_len=8192, d_model=768) weight, init normal std=0.02
    pe_weight = jax.random.normal(k2, (8192, 768), dtype=jnp.float32) * 0.02
    return {"x": x, "pe_weight": pe_weight}


def reference(x, pe_weight):
    # positions = arange(seq_len), embedding lookup, broadcast-add over batch.
    # dropout=0.0 -> identity.
    positions = jnp.arange(x.shape[1])
    pe = jnp.take(pe_weight, positions, axis=0)  # [S, d_model]
    return x + pe[None, :, :]

if __name__ == "__main__":
    import jax
    _d = setup_inputs()
    print(jax.jit(kernel)(*tuple(_d.values())))

</pallas_src>

<mosaic_0001>
#map = affine_map<(d0, d1) -> (0, 0, 0)>
#map1 = affine_map<(d0, d1) -> (0, 0)>
module attributes {stable_mosaic.version = 14 : i64} {
  func.func @run(%arg0: i32, %arg1: i32, %arg2: memref<4x8192x768xf32, #tpu.memory_space<hbm>>, %arg3: memref<8192x768xf32, #tpu.memory_space<hbm>>, %arg4: memref<1x8192x768xf32, #tpu.memory_space<hbm>>, %arg5: memref<16x768xf32, #tpu.memory_space<vmem>>, %arg6: memref<16x768xf32, #tpu.memory_space<vmem>>, %arg7: memref<16x768xf32, #tpu.memory_space<vmem>>, %arg8: memref<16x768xf32, #tpu.memory_space<vmem>>, %arg9: memref<16x768xf32, #tpu.memory_space<vmem>>, %arg10: memref<16x768xf32, #tpu.memory_space<vmem>>, %arg11: memref<!tpu.dma_semaphore, #tpu.memory_space<semaphore_mem>>, %arg12: memref<!tpu.dma_semaphore, #tpu.memory_space<semaphore_mem>>, %arg13: memref<!tpu.dma_semaphore, #tpu.memory_space<semaphore_mem>>, %arg14: memref<!tpu.dma_semaphore, #tpu.memory_space<semaphore_mem>>, %arg15: memref<!tpu.dma_semaphore, #tpu.memory_space<semaphore_mem>>, %arg16: memref<!tpu.dma_semaphore, #tpu.memory_space<semaphore_mem>>) attributes {dimension_semantics = [#tpu.dimension_semantics<core_parallel>, #tpu.dimension_semantics<subcore_parallel>], iteration_bounds = array<i64: 2, 16>, scalar_prefetch = 0 : i64, scratch_operands = 12 : i64, tpu.core_type = #tpu.core_type<sc_vector_subcore>, window_params = [{transform_indices = #map}, {transform_indices = #map1}, {transform_indices = #map}]} {
    %mul3A = arith.constant 2 : i32
    %mul3A_0 = arith.muli %arg1, %mul3A : i32
    %add3A = arith.addi %mul3A_0, %arg0 : i32
    %mul3A_1 = arith.constant 256 : i32
    %mul3A_2 = arith.muli %add3A, %mul3A_1 : i32
    %add3A_3 = arith.constant 0 : i32
    %add3A_4 = arith.addi %mul3A_2, %add3A_3 : i32
    %dma_start3A = arith.constant 0 : i32
    %dma_start3A_5 = tpu.memref_slice %arg3[%add3A_4, %dma_start3A] : memref<8192x768xf32, #tpu.memory_space<hbm>> -> memref<16x768xf32, #tpu.memory_space<hbm>>
    %dma_start3A_6 = arith.constant 0 : i32
    %dma_start3A_7 = tpu.memref_slice %arg3[%add3A_4, %dma_start3A_6] : memref<8192x768xf32, #tpu.memory_space<hbm>> -> memref<16x768xf32, #tpu.memory_space<hbm>>
    tpu.enqueue_dma source(%dma_start3A_7 : memref<16x768xf32, #tpu.memory_space<hbm>>) target(%arg9 : memref<16x768xf32, #tpu.memory_space<vmem>>) target_semaphore(%arg15 : memref<!tpu.dma_semaphore, #tpu.memory_space<semaphore_mem>>)
    %add3A_8 = arith.constant 0 : i32
    %add3A_9 = arith.addi %mul3A_2, %add3A_8 : i32
    %dma_start3A_10 = arith.constant 3 : i32
    %dma_start3A_11 = arith.constant 0 : i32
    %dma_start3A_12 = tpu.memref_slice %arg2[%dma_start3A_10, %add3A_9, %dma_start3A_11] : memref<4x8192x768xf32, #tpu.memory_space<hbm>> -> memref<1x16x768xf32, #tpu.memory_space<hbm>>
    %dma_start3A_13 = tpu.memref_squeeze %dma_start3A_12 : memref<1x16x768xf32, #tpu.memory_space<hbm>> -> memref<16x768xf32, #tpu.memory_space<hbm>>
    %dma_start3A_14 = arith.constant 0 : i32
    %dma_start3A_15 = tpu.memref_slice %arg2[%dma_start3A_10, %add3A_9, %dma_start3A_14] : memref<4x8192x768xf32, #tpu.memory_space<hbm>> -> memref<1x16x768xf32, #tpu.memory_space<hbm>>
    %dma_start3A_16 = tpu.memref_squeeze %dma_start3A_15 : memref<1x16x768xf32, #tpu.memory_space<hbm>> -> memref<16x768xf32, #tpu.memory_space<hbm>>
    tpu.enqueue_dma source(%dma_start3A_16 : memref<16x768xf32, #tpu.memory_space<hbm>>) target(%arg5 : memref<16x768xf32, #tpu.memory_space<vmem>>) target_semaphore(%arg11 : memref<!tpu.dma_semaphore, #tpu.memory_space<semaphore_mem>>)
    %add3A_17 = arith.constant 16 : i32
    %add3A_18 = arith.addi %mul3A_2, %add3A_17 : i32
    %dma_start3A_19 = arith.constant 0 : i32
    %dma_start3A_20 = tpu.memref_slice %arg3[%add3A_18, %dma_start3A_19] : memref<8192x768xf32, #tpu.memory_space<hbm>> -> memref<16x768xf32, #tpu.memory_space<hbm>>
    %dma_start3A_21 = arith.constant 0 : i32
    %dma_start3A_22 = tpu.memref_slice %arg3[%add3A_18, %dma_start3A_21] : memref<8192x768xf32, #tpu.memory_space<hbm>> -> memref<16x768xf32, #tpu.memory_space<hbm>>
    tpu.enqueue_dma source(%dma_start3A_22 : memref<16x768xf32, #tpu.memory_space<hbm>>) target(%arg10 : memref<16x768xf32, #tpu.memory_space<vmem>>) target_semaphore(%arg16 : memref<!tpu.dma_semaphore, #tpu.memory_space<semaphore_mem>>)
    %add3A_23 = arith.constant 16 : i32
    %add3A_24 = arith.addi %mul3A_2, %add3A_23 : i32
    %dma_start3A_25 = arith.constant 3 : i32
    %dma_start3A_26 = arith.constant 0 : i32
    %dma_start3A_27 = tpu.memref_slice %arg2[%dma_start3A_25, %add3A_24, %dma_start3A_26] : memref<4x8192x768xf32, #tpu.memory_space<hbm>> -> memref<1x16x768xf32, #tpu.memory_space<hbm>>
    %dma_start3A_28 = tpu.memref_squeeze %dma_start3A_27 : memref<1x16x768xf32, #tpu.memory_space<hbm>> -> memref<16x768xf32, #tpu.memory_space<hbm>>
    %dma_start3A_29 = arith.constant 0 : i32
    %dma_start3A_30 = tpu.memref_slice %arg2[%dma_start3A_25, %add3A_24, %dma_start3A_29] : memref<4x8192x768xf32, #tpu.memory_space<hbm>> -> memref<1x16x768xf32, #tpu.memory_space<hbm>>
    %dma_start3A_31 = tpu.memref_squeeze %dma_start3A_30 : memref<1x16x768xf32, #tpu.memory_space<hbm>> -> memref<16x768xf32, #tpu.memory_space<hbm>>
    tpu.enqueue_dma source(%dma_start3A_31 : memref<16x768xf32, #tpu.memory_space<hbm>>) target(%arg6 : memref<16x768xf32, #tpu.memory_space<vmem>>) target_semaphore(%arg12 : memref<!tpu.dma_semaphore, #tpu.memory_space<semaphore_mem>>)
    %scan3A = arith.constant 0 : i32
    %scan3A_32 = arith.constant 0 : i32
    %scan3A_33 = arith.constant 8 : i32
    %scan3A_34 = arith.addi %scan3A_32, %scan3A_33 : i32
    %scan3A_35 = arith.constant 1 : i32
    %scan3A_36 = scf.for %scan3A_55 = %scan3A_32 to %scan3A_34 step %scan3A_35 iter_args(%scan3A_56 = %scan3A) -> (i32)  : i32 {
      %mul3A_57 = arith.constant 2 : i32
      %mul3A_58 = arith.muli %mul3A_57, %scan3A_55 : i32
      %add3A_59 = arith.constant 0 : i32
      %add3A_60 = arith.addi %mul3A_58, %add3A_59 : i32
      %mul3A_61 = arith.constant 16 : i32
      %mul3A_62 = arith.muli %add3A_60, %mul3A_61 : i32
      %add3A_63 = arith.addi %mul3A_2, %mul3A_62 : i32
      %dma_wait3A_64 = arith.constant 0 : i32
      %dma_wait3A_65 = tpu.memref_slice %arg3[%add3A_63, %dma_wait3A_64] : memref<8192x768xf32, #tpu.memory_space<hbm>> -> memref<16x768xf32, #tpu.memory_space<hbm>>
      %dma_wait3A_66 = arith.constant 0 : i32
      %dma_wait3A_67 = tpu.memref_slice %arg3[%add3A_63, %dma_wait3A_66] : memref<8192x768xf32, #tpu.memory_space<hbm>> -> memref<16x768xf32, #tpu.memory_space<hbm>>
      tpu.wait_dma2 semaphore(%arg15 : memref<!tpu.dma_semaphore, #tpu.memory_space<semaphore_mem>>) src(%dma_wait3A_67 : memref<16x768xf32, #tpu.memory_space<hbm>>) dst(%arg9 : memref<16x768xf32, #tpu.memory_space<vmem>>)
      %mul3A_68 = arith.constant 16 : i32
      %mul3A_69 = arith.muli %add3A_60, %mul3A_68 : i32
      %add3A_70 = arith.addi %mul3A_2, %mul3A_69 : i32
      %dma_wait3A_71 = arith.constant 3 : i32
      %dma_wait3A_72 = arith.constant 0 : i32
      %dma_wait3A_73 = tpu.memref_slice %arg2[%dma_wait3A_71, %add3A_70, %dma_wait3A_72] : memref<4x8192x768xf32, #tpu.memory_space<hbm>> -> memref<1x16x768xf32, #tpu.memory_space<hbm>>
      %dma_wait3A_74 = tpu.memref_squeeze %dma_wait3A_73 : memref<1x16x768xf32, #tpu.memory_space<hbm>> -> memref<16x768xf32, #tpu.memory_space<hbm>>
      %dma_wait3A_75 = arith.constant 0 : i32
      %dma_wait3A_76 = tpu.memref_slice %arg2[%dma_wait3A_71, %add3A_70, %dma_wait3A_75] : memref<4x8192x768xf32, #tpu.memory_space<hbm>> -> memref<1x16x768xf32, #tpu.memory_space<hbm>>
      %dma_wait3A_77 = tpu.memref_squeeze %dma_wait3A_76 : memref<1x16x768xf32, #tpu.memory_space<hbm>> -> memref<16x768xf32, #tpu.memory_space<hbm>>
      tpu.wait_dma2 semaphore(%arg11 : memref<!tpu.dma_semaphore, #tpu.memory_space<semaphore_mem>>) src(%dma_wait3A_77 : memref<16x768xf32, #tpu.memory_space<hbm>>) dst(%arg5 : memref<16x768xf32, #tpu.memory_space<vmem>>)
      %ge3A = arith.constant 2 : i32
      %ge3A_78 = arith.cmpi sge, %add3A_60, %ge3A : i32
      %convert_element_type3A = arith.extui %ge3A_78 : i1 to i32
      %cond3A = arith.constant 0 : i32
      %cond3A_79 = arith.cmpi ne, %convert_element_type3A, %cond3A : i32
      scf.if %cond3A_79 {
        %sub3A = arith.constant 2 : i32
        %sub3A_145 = arith.subi %add3A_60, %sub3A : i32
        %mul3A_146 = arith.constant 16 : i32
        %mul3A_147 = arith.muli %sub3A_145, %mul3A_146 : i32
        %add3A_148 = arith.addi %mul3A_2, %mul3A_147 : i32
        %dma_wait3A_149 = arith.constant 0 : i32
        %dma_wait3A_150 = arith.constant 0 : i32
        %dma_wait3A_151 = tpu.memref_slice %arg4[%dma_wait3A_149, %add3A_148, %dma_wait3A_150] : memref<1x8192x768xf32, #tpu.memory_space<hbm>> -> memref<1x16x768xf32, #tpu.memory_space<hbm>>
        %dma_wait3A_152 = tpu.memref_squeeze %dma_wait3A_151 : memref<1x16x768xf32, #tpu.memory_space<hbm>> -> memref<16x768xf32, #tpu.memory_space<hbm>>
        %dma_wait3A_153 = arith.constant 0 : i32
        %dma_wait3A_154 = tpu.memref_slice %arg4[%dma_wait3A_149, %add3A_148, %dma_wait3A_153] : memref<1x8192x768xf32, #tpu.memory_space<hbm>> -> memref<1x16x768xf32, #tpu.memory_space<hbm>>
        %dma_wait3A_155 = tpu.memref_squeeze %dma_wait3A_154 : memref<1x16x768xf32, #tpu.memory_space<hbm>> -> memref<16x768xf32, #tpu.memory_space<hbm>>
        tpu.wait_dma2 semaphore(%arg13 : memref<!tpu.dma_semaphore, #tpu.memory_space<semaphore_mem>>) src(%arg7 : memref<16x768xf32, #tpu.memory_space<vmem>>) dst(%dma_wait3A_155 : memref<16x768xf32, #tpu.memory_space<hbm>>)
      } else {
      }
      %parallel_loop3A = arith.constant 0 : i32
      %parallel_loop3A_80 = arith.constant 768 : i32
      %parallel_loop3A_81 = arith.constant 1 : i32
      scf.for %parallel_loop3A_145 = %parallel_loop3A to %parallel_loop3A_80 step %parallel_loop3A_81  : i32 {
        %parallel_loop3A_146 = arith.constant 15 : i32
        %parallel_loop3A_147 = arith.andi %parallel_loop3A_145, %parallel_loop3A_146 : i32
        %parallel_loop3A_148 = arith.constant 4 : i32
        %parallel_loop3A_149 = arith.shrsi %parallel_loop3A_145, %parallel_loop3A_148 : i32
        %parallel_loop3A_150 = arith.constant 16 : i32
        %parallel_loop3A_151 = arith.muli %parallel_loop3A_149, %parallel_loop3A_150 : i32
        %parallel_loop3A_152 = arith.index_cast %parallel_loop3A_147 : i32 to index
        %parallel_loop3A_153 = arith.index_cast %parallel_loop3A_151 : i32 to index
        %parallel_loop3A_154 = tpu.vector_load %arg5[%parallel_loop3A_152, %parallel_loop3A_153] {strides = array<i32>} : memref<16x768xf32, #tpu.memory_space<vmem>>, vector<1x16xf32>,
        %parallel_loop3A_155 = vector.shape_cast %parallel_loop3A_154 : vector<1x16xf32> to vector<16xf32>
        %parallel_loop3A_156 = arith.index_cast %parallel_loop3A_147 : i32 to index
        %parallel_loop3A_157 = arith.index_cast %parallel_loop3A_151 : i32 to index
        %parallel_loop3A_158 = tpu.vector_load %arg9[%parallel_loop3A_156, %parallel_loop3A_157] {strides = array<i32>} : memref<16x768xf32, #tpu.memory_space<vmem>>, vector<1x16xf32>,
        %parallel_loop3A_159 = vector.shape_cast %parallel_loop3A_158 : vector<1x16xf32> to vector<16xf32>
        %parallel_loop3A_160 = arith.addf %parallel_loop3A_155, %parallel_loop3A_159 : vector<16xf32>
        %parallel_loop3A_161 = arith.index_cast %parallel_loop3A_147 : i32 to index
        %parallel_loop3A_162 = arith.index_cast %parallel_loop3A_151 : i32 to index
        %parallel_loop3A_163 = tpu.vector_load %arg7[%parallel_loop3A_161, %parallel_loop3A_162] {strides = array<i32>} : memref<16x768xf32, #tpu.memory_space<vmem>>, vector<1x16xf32>,
        %parallel_loop3A_164 = vector.shape_cast %parallel_loop3A_163 : vector<1x16xf32> to vector<16xf32>
        %parallel_loop3A_165 = vector.shape_cast %parallel_loop3A_160 : vector<16xf32> to vector<1x16xf32>
        tpu.vector_store %arg7[%parallel_loop3A_161, %parallel_loop3A_162], %parallel_loop3A_165 {strides = array<i32>} : memref<16x768xf32, #tpu.memory_space<vmem>>, vector<1x16xf32>,
      } {sc.loop_unroll_factor = 8 : i64, sc.parallel_access}
      %mul3A_82 = arith.constant 16 : i32
      %mul3A_83 = arith.muli %add3A_60, %mul3A_82 : i32
      %add3A_84 = arith.addi %mul3A_2, %mul3A_83 : i32
      %dma_start3A_85 = arith.constant 0 : i32
      %dma_start3A_86 = arith.constant 0 : i32
      %dma_start3A_87 = tpu.memref_slice %arg4[%dma_start3A_85, %add3A_84, %dma_start3A_86] : memref<1x8192x768xf32, #tpu.memory_space<hbm>> -> memref<1x16x768xf32, #tpu.memory_space<hbm>>
      %dma_start3A_88 = tpu.memref_squeeze %dma_start3A_87 : memref<1x16x768xf32, #tpu.memory_space<hbm>> -> memref<16x768xf32, #tpu.memory_space<hbm>>
      %dma_start3A_89 = arith.constant 0 : i32
      %dma_start3A_90 = tpu.memref_slice %arg4[%dma_start3A_85, %add3A_84, %dma_start3A_89] : memref<1x8192x768xf32, #tpu.memory_space<hbm>> -> memref<1x16x768xf32, #tpu.memory_space<hbm>>
      %dma_start3A_91 = tpu.memref_squeeze %dma_start3A_90 : memref<1x16x768xf32, #tpu.memory_space<hbm>> -> memref<16x768xf32, #tpu.memory_space<hbm>>
      tpu.enqueue_dma source(%arg7 : memref<16x768xf32, #tpu.memory_space<vmem>>) target(%dma_start3A_91 : memref<16x768xf32, #tpu.memory_space<hbm>>) target_semaphore(%arg13 : memref<!tpu.dma_semaphore, #tpu.memory_space<semaphore_mem>>)
      %add3A_92 = arith.constant 2 : i32
      %add3A_93 = arith.addi %add3A_60, %add3A_92 : i32
      %lt3A = arith.constant 16 : i32
      %lt3A_94 = arith.cmpi slt, %add3A_93, %lt3A : i32
      %convert_element_type3A_95 = arith.extui %lt3A_94 : i1 to i32
      %cond3A_96 = arith.constant 0 : i32
      %cond3A_97 = arith.cmpi ne, %convert_element_type3A_95, %cond3A_96 : i32
      scf.if %cond3A_97 {
        %add3A_145 = arith.constant 2 : i32
        %add3A_146 = arith.addi %add3A_60, %add3A_145 : i32
        %mul3A_147 = arith.constant 16 : i32
        %mul3A_148 = arith.muli %add3A_146, %mul3A_147 : i32
        %add3A_149 = arith.addi %mul3A_2, %mul3A_148 : i32
        %dma_start3A_150 = arith.constant 3 : i32
        %dma_start3A_151 = arith.constant 0 : i32
        %dma_start3A_152 = tpu.memref_slice %arg2[%dma_start3A_150, %add3A_149, %dma_start3A_151] : memref<4x8192x768xf32, #tpu.memory_space<hbm>> -> memref<1x16x768xf32, #tpu.memory_space<hbm>>
        %dma_start3A_153 = tpu.memref_squeeze %dma_start3A_152 : memref<1x16x768xf32, #tpu.memory_space<hbm>> -> memref<16x768xf32, #tpu.memory_space<hbm>>
        %dma_start3A_154 = arith.constant 0 : i32
        %dma_start3A_155 = tpu.memref_slice %arg2[%dma_start3A_150, %add3A_149, %dma_start3A_154] : memref<4x8192x768xf32, #tpu.memory_space<hbm>> -> memref<1x16x768xf32, #tpu.memory_space<hbm>>
        %dma_start3A_156 = tpu.memref_squeeze %dma_start3A_155 : memref<1x16x768xf32, #tpu.memory_space<hbm>> -> memref<16x768xf32, #tpu.memory_space<hbm>>
        tpu.enqueue_dma source(%dma_start3A_156 : memref<16x768xf32, #tpu.memory_space<hbm>>) target(%arg5 : memref<16x768xf32, #tpu.memory_space<vmem>>) target_semaphore(%arg11 : memref<!tpu.dma_semaphore, #tpu.memory_space<semaphore_mem>>)
        %add3A_157 = arith.constant 2 : i32
        %add3A_158 = arith.addi %add3A_60, %add3A_157 : i32
        %mul3A_159 = arith.constant 16 : i32
        %mul3A_160 = arith.muli %add3A_158, %mul3A_159 : i32
        %add3A_161 = arith.addi %mul3A_2, %mul3A_160 : i32
        %dma_start3A_162 = arith.constant 0 : i32
        %dma_start3A_163 = tpu.memref_slice %arg3[%add3A_161, %dma_start3A_162] : memref<8192x768xf32, #tpu.memory_space<hbm>> -> memref<16x768xf32, #tpu.memory_space<hbm>>
        %dma_start3A_164 = arith.constant 0 : i32
        %dma_start3A_165 = tpu.memref_slice %arg3[%add3A_161, %dma_start3A_164] : memref<8192x768xf32, #tpu.memory_space<hbm>> -> memref<16x768xf32, #tpu.memory_space<hbm>>
        tpu.enqueue_dma source(%dma_start3A_165 : memref<16x768xf32, #tpu.memory_space<hbm>>) target(%arg9 : memref<16x768xf32, #tpu.memory_space<vmem>>) target_semaphore(%arg15 : memref<!tpu.dma_semaphore, #tpu.memory_space<semaphore_mem>>)
      } else {
      }
      %mul3A_98 = arith.constant 2 : i32
      %mul3A_99 = arith.muli %mul3A_98, %scan3A_55 : i32
      %add3A_100 = arith.constant 1 : i32
      %add3A_101 = arith.addi %mul3A_99, %add3A_100 : i32
      %mul3A_102 = arith.constant 16 : i32
      %mul3A_103 = arith.muli %add3A_101, %mul3A_102 : i32
      %add3A_104 = arith.addi %mul3A_2, %mul3A_103 : i32
      %dma_wait3A_105 = arith.constant 0 : i32
      %dma_wait3A_106 = tpu.memref_slice %arg3[%add3A_104, %dma_wait3A_105] : memref<8192x768xf32, #tpu.memory_space<hbm>> -> memref<16x768xf32, #tpu.memory_space<hbm>>
      %dma_wait3A_107 = arith.constant 0 : i32
      %dma_wait3A_108 = tpu.memref_slice %arg3[%add3A_104, %dma_wait3A_107] : memref<8192x768xf32, #tpu.memory_space<hbm>> -> memref<16x768xf32, #tpu.memory_space<hbm>>
      tpu.wait_dma2 semaphore(%arg16 : memref<!tpu.dma_semaphore, #tpu.memory_space<semaphore_mem>>) src(%dma_wait3A_108 : memref<16x768xf32, #tpu.memory_space<hbm>>) dst(%arg10 : memref<16x768xf32, #tpu.memory_space<vmem>>)
      %mul3A_109 = arith.constant 16 : i32
      %mul3A_110 = arith.muli %add3A_101, %mul3A_109 : i32
      %add3A_111 = arith.addi %mul3A_2, %mul3A_110 : i32
      %dma_wait3A_112 = arith.constant 3 : i32
      %dma_wait3A_113 = arith.constant 0 : i32
      %dma_wait3A_114 = tpu.memref_slice %arg2[%dma_wait3A_112, %add3A_111, %dma_wait3A_113] : memref<4x8192x768xf32, #tpu.memory_space<hbm>> -> memref<1x16x768xf32, #tpu.memory_space<hbm>>
      %dma_wait3A_115 = tpu.memref_squeeze %dma_wait3A_114 : memref<1x16x768xf32, #tpu.memory_space<hbm>> -> memref<16x768xf32, #tpu.memory_space<hbm>>
      %dma_wait3A_116 = arith.constant 0 : i32
      %dma_wait3A_117 = tpu.memref_slice %arg2[%dma_wait3A_112, %add3A_111, %dma_wait3A_116] : memref<4x8192x768xf32, #tpu.memory_space<hbm>> -> memref<1x16x768xf32, #tpu.memory_space<hbm>>
      %dma_wait3A_118 = tpu.memref_squeeze %dma_wait3A_117 : memref<1x16x768xf32, #tpu.memory_space<hbm>> -> memref<16x768xf32, #tpu.memory_space<hbm>>
      tpu.wait_dma2 semaphore(%arg12 : memref<!tpu.dma_semaphore, #tpu.memory_space<semaphore_mem>>) src(%dma_wait3A_118 : memref<16x768xf32, #tpu.memory_space<hbm>>) dst(%arg6 : memref<16x768xf32, #tpu.memory_space<vmem>>)
      %ge3A_119 = arith.constant 2 : i32
      %ge3A_120 = arith.cmpi sge, %add3A_101, %ge3A_119 : i32
      %convert_element_type3A_121 = arith.extui %ge3A_120 : i1 to i32
      %cond3A_122 = arith.constant 0 : i32
      %cond3A_123 = arith.cmpi ne, %convert_element_type3A_121, %cond3A_122 : i32
      scf.if %cond3A_123 {
        %sub3A = arith.constant 2 : i32
        %sub3A_145 = arith.subi %add3A_101, %sub3A : i32
        %mul3A_146 = arith.constant 16 : i32
        %mul3A_147 = arith.muli %sub3A_145, %mul3A_146 : i32
        %add3A_148 = arith.addi %mul3A_2, %mul3A_147 : i32
        %dma_wait3A_149 = arith.constant 0 : i32
        %dma_wait3A_150 = arith.constant 0 : i32
        %dma_wait3A_151 = tpu.memref_slice %arg4[%dma_wait3A_149, %add3A_148, %dma_wait3A_150] : memref<1x8192x768xf32, #tpu.memory_space<hbm>> -> memref<1x16x768xf32, #tpu.memory_space<hbm>>
        %dma_wait3A_152 = tpu.memref_squeeze %dma_wait3A_151 : memref<1x16x768xf32, #tpu.memory_space<hbm>> -> memref<16x768xf32, #tpu.memory_space<hbm>>
        %dma_wait3A_153 = arith.constant 0 : i32
        %dma_wait3A_154 = tpu.memref_slice %arg4[%dma_wait3A_149, %add3A_148, %dma_wait3A_153] : memref<1x8192x768xf32, #tpu.memory_space<hbm>> -> memref<1x16x768xf32, #tpu.memory_space<hbm>>
        %dma_wait3A_155 = tpu.memref_squeeze %dma_wait3A_154 : memref<1x16x768xf32, #tpu.memory_space<hbm>> -> memref<16x768xf32, #tpu.memory_space<hbm>>
        tpu.wait_dma2 semaphore(%arg14 : memref<!tpu.dma_semaphore, #tpu.memory_space<semaphore_mem>>) src(%arg8 : memref<16x768xf32, #tpu.memory_space<vmem>>) dst(%dma_wait3A_155 : memref<16x768xf32, #tpu.memory_space<hbm>>)
      } else {
      }
      %parallel_loop3A_124 = arith.constant 0 : i32
      %parallel_loop3A_125 = arith.constant 768 : i32
      %parallel_loop3A_126 = arith.constant 1 : i32
      scf.for %parallel_loop3A_145 = %parallel_loop3A_124 to %parallel_loop3A_125 step %parallel_loop3A_126  : i32 {
        %parallel_loop3A_146 = arith.constant 15 : i32
        %parallel_loop3A_147 = arith.andi %parallel_loop3A_145, %parallel_loop3A_146 : i32
        %parallel_loop3A_148 = arith.constant 4 : i32
        %parallel_loop3A_149 = arith.shrsi %parallel_loop3A_145, %parallel_loop3A_148 : i32
        %parallel_loop3A_150 = arith.constant 16 : i32
        %parallel_loop3A_151 = arith.muli %parallel_loop3A_149, %parallel_loop3A_150 : i32
        %parallel_loop3A_152 = arith.index_cast %parallel_loop3A_147 : i32 to index
        %parallel_loop3A_153 = arith.index_cast %parallel_loop3A_151 : i32 to index
        %parallel_loop3A_154 = tpu.vector_load %arg6[%parallel_loop3A_152, %parallel_loop3A_153] {strides = array<i32>} : memref<16x768xf32, #tpu.memory_space<vmem>>, vector<1x16xf32>,
        %parallel_loop3A_155 = vector.shape_cast %parallel_loop3A_154 : vector<1x16xf32> to vector<16xf32>
        %parallel_loop3A_156 = arith.index_cast %parallel_loop3A_147 : i32 to index
        %parallel_loop3A_157 = arith.index_cast %parallel_loop3A_151 : i32 to index
        %parallel_loop3A_158 = tpu.vector_load %arg10[%parallel_loop3A_156, %parallel_loop3A_157] {strides = array<i32>} : memref<16x768xf32, #tpu.memory_space<vmem>>, vector<1x16xf32>,
        %parallel_loop3A_159 = vector.shape_cast %parallel_loop3A_158 : vector<1x16xf32> to vector<16xf32>
        %parallel_loop3A_160 = arith.addf %parallel_loop3A_155, %parallel_loop3A_159 : vector<16xf32>
        %parallel_loop3A_161 = arith.index_cast %parallel_loop3A_147 : i32 to index
        %parallel_loop3A_162 = arith.index_cast %parallel_loop3A_151 : i32 to index
        %parallel_loop3A_163 = tpu.vector_load %arg8[%parallel_loop3A_161, %parallel_loop3A_162] {strides = array<i32>} : memref<16x768xf32, #tpu.memory_space<vmem>>, vector<1x16xf32>,
        %parallel_loop3A_164 = vector.shape_cast %parallel_loop3A_163 : vector<1x16xf32> to vector<16xf32>
        %parallel_loop3A_165 = vector.shape_cast %parallel_loop3A_160 : vector<16xf32> to vector<1x16xf32>
        tpu.vector_store %arg8[%parallel_loop3A_161, %parallel_loop3A_162], %parallel_loop3A_165 {strides = array<i32>} : memref<16x768xf32, #tpu.memory_space<vmem>>, vector<1x16xf32>,
      } {sc.loop_unroll_factor = 8 : i64, sc.parallel_access}
      %mul3A_127 = arith.constant 16 : i32
      %mul3A_128 = arith.muli %add3A_101, %mul3A_127 : i32
      %add3A_129 = arith.addi %mul3A_2, %mul3A_128 : i32
      %dma_start3A_130 = arith.constant 0 : i32
      %dma_start3A_131 = arith.constant 0 : i32
      %dma_start3A_132 = tpu.memref_slice %arg4[%dma_start3A_130, %add3A_129, %dma_start3A_131] : memref<1x8192x768xf32, #tpu.memory_space<hbm>> -> memref<1x16x768xf32, #tpu.memory_space<hbm>>
      %dma_start3A_133 = tpu.memref_squeeze %dma_start3A_132 : memref<1x16x768xf32, #tpu.memory_space<hbm>> -> memref<16x768xf32, #tpu.memory_space<hbm>>
      %dma_start3A_134 = arith.constant 0 : i32
      %dma_start3A_135 = tpu.memref_slice %arg4[%dma_start3A_130, %add3A_129, %dma_start3A_134] : memref<1x8192x768xf32, #tpu.memory_space<hbm>> -> memref<1x16x768xf32, #tpu.memory_space<hbm>>
      %dma_start3A_136 = tpu.memref_squeeze %dma_start3A_135 : memref<1x16x768xf32, #tpu.memory_space<hbm>> -> memref<16x768xf32, #tpu.memory_space<hbm>>
      tpu.enqueue_dma source(%arg8 : memref<16x768xf32, #tpu.memory_space<vmem>>) target(%dma_start3A_136 : memref<16x768xf32, #tpu.memory_space<hbm>>) target_semaphore(%arg14 : memref<!tpu.dma_semaphore, #tpu.memory_space<semaphore_mem>>)
      %add3A_137 = arith.constant 2 : i32
      %add3A_138 = arith.addi %add3A_101, %add3A_137 : i32
      %lt3A_139 = arith.constant 16 : i32
      %lt3A_140 = arith.cmpi slt, %add3A_138, %lt3A_139 : i32
      %convert_element_type3A_141 = arith.extui %lt3A_140 : i1 to i32
      %cond3A_142 = arith.constant 0 : i32
      %cond3A_143 = arith.cmpi ne, %convert_element_type3A_141, %cond3A_142 : i32
      scf.if %cond3A_143 {
        %add3A_145 = arith.constant 2 : i32
        %add3A_146 = arith.addi %add3A_101, %add3A_145 : i32
        %mul3A_147 = arith.constant 16 : i32
        %mul3A_148 = arith.muli %add3A_146, %mul3A_147 : i32
        %add3A_149 = arith.addi %mul3A_2, %mul3A_148 : i32
        %dma_start3A_150 = arith.constant 3 : i32
        %dma_start3A_151 = arith.constant 0 : i32
        %dma_start3A_152 = tpu.memref_slice %arg2[%dma_start3A_150, %add3A_149, %dma_start3A_151] : memref<4x8192x768xf32, #tpu.memory_space<hbm>> -> memref<1x16x768xf32, #tpu.memory_space<hbm>>
        %dma_start3A_153 = tpu.memref_squeeze %dma_start3A_152 : memref<1x16x768xf32, #tpu.memory_space<hbm>> -> memref<16x768xf32, #tpu.memory_space<hbm>>
        %dma_start3A_154 = arith.constant 0 : i32
        %dma_start3A_155 = tpu.memref_slice %arg2[%dma_start3A_150, %add3A_149, %dma_start3A_154] : memref<4x8192x768xf32, #tpu.memory_space<hbm>> -> memref<1x16x768xf32, #tpu.memory_space<hbm>>
        %dma_start3A_156 = tpu.memref_squeeze %dma_start3A_155 : memref<1x16x768xf32, #tpu.memory_space<hbm>> -> memref<16x768xf32, #tpu.memory_space<hbm>>
        tpu.enqueue_dma source(%dma_start3A_156 : memref<16x768xf32, #tpu.memory_space<hbm>>) target(%arg6 : memref<16x768xf32, #tpu.memory_space<vmem>>) target_semaphore(%arg12 : memref<!tpu.dma_semaphore, #tpu.memory_space<semaphore_mem>>)
        %add3A_157 = arith.constant 2 : i32
        %add3A_158 = arith.addi %add3A_101, %add3A_157 : i32
        %mul3A_159 = arith.constant 16 : i32
        %mul3A_160 = arith.muli %add3A_158, %mul3A_159 : i32
        %add3A_161 = arith.addi %mul3A_2, %mul3A_160 : i32
        %dma_start3A_162 = arith.constant 0 : i32
        %dma_start3A_163 = tpu.memref_slice %arg3[%add3A_161, %dma_start3A_162] : memref<8192x768xf32, #tpu.memory_space<hbm>> -> memref<16x768xf32, #tpu.memory_space<hbm>>
        %dma_start3A_164 = arith.constant 0 : i32
        %dma_start3A_165 = tpu.memref_slice %arg3[%add3A_161, %dma_start3A_164] : memref<8192x768xf32, #tpu.memory_space<hbm>> -> memref<16x768xf32, #tpu.memory_space<hbm>>
        tpu.enqueue_dma source(%dma_start3A_165 : memref<16x768xf32, #tpu.memory_space<hbm>>) target(%arg10 : memref<16x768xf32, #tpu.memory_space<vmem>>) target_semaphore(%arg16 : memref<!tpu.dma_semaphore, #tpu.memory_space<semaphore_mem>>)
      } else {
      }
      %scan3A_144 = arith.constant 0 : i32
      scf.yield %scan3A_144 : i32
    }
    %scan3A_37 = arith.constant 8 : i32
    %add3A_38 = arith.constant 224 : i32
    %add3A_39 = arith.addi %mul3A_2, %add3A_38 : i32
    %dma_wait3A = arith.constant 0 : i32
    %dma_wait3A_40 = arith.constant 0 : i32
    %dma_wait3A_41 = tpu.memref_slice %arg4[%dma_wait3A, %add3A_39, %dma_wait3A_40] : memref<1x8192x768xf32, #tpu.memory_space<hbm>> -> memref<1x16x768xf32, #tpu.memory_space<hbm>>
    %dma_wait3A_42 = tpu.memref_squeeze %dma_wait3A_41 : memref<1x16x768xf32, #tpu.memory_space<hbm>> -> memref<16x768xf32, #tpu.memory_space<hbm>>
    %dma_wait3A_43 = arith.constant 0 : i32
    %dma_wait3A_44 = tpu.memref_slice %arg4[%dma_wait3A, %add3A_39, %dma_wait3A_43] : memref<1x8192x768xf32, #tpu.memory_space<hbm>> -> memref<1x16x768xf32, #tpu.memory_space<hbm>>
    %dma_wait3A_45 = tpu.memref_squeeze %dma_wait3A_44 : memref<1x16x768xf32, #tpu.memory_space<hbm>> -> memref<16x768xf32, #tpu.memory_space<hbm>>
    tpu.wait_dma2 semaphore(%arg13 : memref<!tpu.dma_semaphore, #tpu.memory_space<semaphore_mem>>) src(%arg7 : memref<16x768xf32, #tpu.memory_space<vmem>>) dst(%dma_wait3A_45 : memref<16x768xf32, #tpu.memory_space<hbm>>)
    %add3A_46 = arith.constant 240 : i32
    %add3A_47 = arith.addi %mul3A_2, %add3A_46 : i32
    %dma_wait3A_48 = arith.constant 0 : i32
    %dma_wait3A_49 = arith.constant 0 : i32
    %dma_wait3A_50 = tpu.memref_slice %arg4[%dma_wait3A_48, %add3A_47, %dma_wait3A_49] : memref<1x8192x768xf32, #tpu.memory_space<hbm>> -> memref<1x16x768xf32, #tpu.memory_space<hbm>>
    %dma_wait3A_51 = tpu.memref_squeeze %dma_wait3A_50 : memref<1x16x768xf32, #tpu.memory_space<hbm>> -> memref<16x768xf32, #tpu.memory_space<hbm>>
    %dma_wait3A_52 = arith.constant 0 : i32
    %dma_wait3A_53 = tpu.memref_slice %arg4[%dma_wait3A_48, %add3A_47, %dma_wait3A_52] : memref<1x8192x768xf32, #tpu.memory_space<hbm>> -> memref<1x16x768xf32, #tpu.memory_space<hbm>>
    %dma_wait3A_54 = tpu.memref_squeeze %dma_wait3A_53 : memref<1x16x768xf32, #tpu.memory_space<hbm>> -> memref<16x768xf32, #tpu.memory_space<hbm>>
    tpu.wait_dma2 semaphore(%arg14 : memref<!tpu.dma_semaphore, #tpu.memory_space<semaphore_mem>>) src(%arg8 : memref<16x768xf32, #tpu.memory_space<vmem>>) dst(%dma_wait3A_54 : memref<16x768xf32, #tpu.memory_space<hbm>>)
    return
  }
}

module attributes {stable_mosaic.version = 14 : i64} {
  func.func @_tc_add_kernel(%arg0: i32, %arg1: memref<3x512x768xf32, #tpu.memory_space<vmem>>, %arg2: memref<512x768xf32, #tpu.memory_space<vmem>>, %arg3: memref<3x512x768xf32, #tpu.memory_space<vmem>>) attributes {dimension_semantics = [#tpu.dimension_semantics<parallel>], iteration_bounds = array<i64: 16>, scalar_prefetch = 0 : i64, scratch_operands = 0 : i64, tpu.core_type = #tpu.core_type<tc>, window_params = [{transform_indices = @transform_0, window_bounds = array<i64: 3, 512, 768>}, {transform_indices = @transform_1, window_bounds = array<i64: 512, 768>}, {transform_indices = @transform_2, window_bounds = array<i64: 3, 512, 768>}]} {
    %get3A = arith.constant 0 : index
    %get3A_0 = arith.constant 0 : index
    %get3A_1 = arith.constant 0 : index
    %get3A_2 = vector.load %arg1[%get3A, %get3A_0, %get3A_1] : memref<3x512x768xf32, #tpu.memory_space<vmem>>, vector<3x512x768xf32>
    %get3A_3 = arith.constant 0 : index
    %get3A_4 = arith.constant 0 : index
    %get3A_5 = vector.load %arg2[%get3A_3, %get3A_4] : memref<512x768xf32, #tpu.memory_space<vmem>>, vector<512x768xf32>
    %broadcast_in_dim3A = vector.shape_cast %get3A_5 : vector<512x768xf32> to vector<1x512x768xf32>
    %add3A = vector.broadcast %broadcast_in_dim3A : vector<1x512x768xf32> to vector<3x512x768xf32>
    %add3A_6 = arith.addf %get3A_2, %add3A : vector<3x512x768xf32>
    %swap3A = arith.constant 0 : index
    %swap3A_7 = arith.constant 0 : index
    %swap3A_8 = arith.constant 0 : index
    %swap3A_9 = vector.load %arg3[%swap3A, %swap3A_7, %swap3A_8] : memref<3x512x768xf32, #tpu.memory_space<vmem>>, vector<3x512x768xf32>
    tpu.vector_store %arg3[%swap3A, %swap3A_7, %swap3A_8], %add3A_6 {strides = array<i32>} : memref<3x512x768xf32, #tpu.memory_space<vmem>>, vector<3x512x768xf32>,
    return
  }
  func.func @transform_0(%arg0: i32) -> (i32, i32, i32) {
    %c0_i32 = arith.constant 0 : i32
    %c0_i32_0 = arith.constant 0 : i32
    %c0_i32_1 = arith.constant 0 : i32
    return %c0_i32, %arg0, %c0_i32_0 : i32, i32, i32
  }
  func.func @transform_1(%arg0: i32) -> (i32, i32) {
    %c0_i32 = arith.constant 0 : i32
    %c0_i32_0 = arith.constant 0 : i32
    return %arg0, %c0_i32 : i32, i32
  }
  func.func @transform_2(%arg0: i32) -> (i32, i32, i32) {
    %c0_i32 = arith.constant 0 : i32
    %c0_i32_0 = arith.constant 0 : i32
    %c0_i32_1 = arith.constant 0 : i32
    return %c0_i32, %arg0, %c0_i32_0 : i32, i32, i32
  }
}

</mosaic_0001>

<sc_bundles>
// kernel: kernel.4.cloned.1.call-start
scs
__scs_entry_jumppad:
0x0: {  	(pc) =	sbr.rel $0x88, $3  }
0x1: {  	(tag) =	ssettag $0x0;
	lr =	simm.s32 $0x1  }
0x2: {  	[smem:$0x3F9F] =	sst lr;
	_ =	strace $0xD0000000  }
0x3: {  	_ = 	snop  }
0x4: {  	_ = 	snop  }
0x5: {  	_ = 	snop  }
0x6: {  	_ = 	snop  }
0x7: {  	_ = 	snop  }
__scs_overlays_trampoline_lowered:
0x8: {  	[smem:$0x3FAE] =	sst s0  }
0x9: {  	[smem:$0x3FAF] =	sst s1  }
0xa: {  	[smem:$0x3FB0] =	sst s2  }
0xb: {  	[smem:$0x3FB1] =	sst s3  }
0xc: {  	[smem:$0x3FB2] =	sst s4  }
0xd: {  	[smem:$0x3FB3] =	sst s5  }
0xe: {  	[smem:$0x3FB4] =	sst s6  }
0xf: {  	[smem:$0x3FB5] =	sst s7  }
0x10: {  	[smem:$0x3FB6] =	sst s8  }
0x11: {  	[smem:$0x3FB7] =	sst s9;
	s0 =	simm.s32 @!p0 $0x0  }
0x12: {  	s1 =	sld [smem:$0x3F9D];
	s0 =	simm.s32 @p0 $0x1  }
0x13: {  	[smem:$0x3FB8] =	sst s0;
	s0 =	simm.s32 @!p1 $0x0  }
0x14: {  	s2 =	sld [smem:$0x3F9C];
	s0 =	simm.s32 @p1 $0x1  }
0x15: {  	[smem:$0x3FB9] =	sst s0;
	s0 =	simm.s32 @!p2 $0x0  }
0x16: {  	s3 =	sld [smem:$0x3FDB];
	s0 =	simm.s32 @p2 $0x1  }
0x17: {  	s4 =	simm.s32 $0x1BF5;
	[smem:$0x3FBB] =	sst s0  }
0x18: {  	s0 =	sld [smem:$0x3F9E];
	_ =	swait.ge [sflag:s4], $0x0  }
0x19: {  	s7 =	sld [smem:$0x3F9F]  }
0x1a: {  	s8 =	sadd.s32 $0xFFFFE003, lr  }
0x1b: {  	s9 =	sadd.s32 $0xFFFFFEF7, lr;
	s5 =	simm.s32 $0xFFFFFFFF;
	p2 =	slt.u32 s8, $0xFFFFF086  }
0x1c: {  	p1 =	slt.u32 s9, $0xF7A;
	s5 =	simm.s32 @!p2 $0x0  }
0x1d: {  	s5 =	simm.s32 @p1 $0x1;
	p0 =	seq.s32 s7, s2  }
0x1e: {  	s7 =	smul.u32 @!p0 $0xF7A, s2;
	p2 =	seq.s32 @!p0 s5, $0x0  }
0x1f: {  	s9 =	smul.u32 $0xF7A, s1;
	s8 =	simm.s32 @!p0 $0x1BF5;
	p2 =	por !p2, p0  }
0x20: {  	[sflag:s8] =	ssyncset.s32 @!p0 $0xFFFFF086;
	s6 =	sadd.s32 @!p0 s3, s7;
	s7 =	simm.s32 @!p0 $0x108  }
0x21: {  	s3 =	sadd.s32 s3, s9;
	s6 =	sadd.s32 @!p0 $0x88, s6;
	s7 =	simm.s32 @p2 $0x1082  }
0x22: {  	[simem:s7], [sflag:s8] =	dma.local @!p0 [hbm:s6], $0xF7A  }
0x23: {  	s9 =	sor.u32 $0xD0000000, s2;
	s6 =	simm.s32 $0x108;
	_ =	swait.ge @!p0 [sflag:s8], $0x0  }
0x24: {  	s3 =	sadd.s32 $0x88, s3;
	s6 =	simm.s32 @!p1 $0x1082;
	[sflag:s4] =	ssyncset.s32 $0xFFFFF086  }
0x25: {  	[simem:s6], [sflag:s4] =	dma.local [hbm:s3], $0xF7A  }
0x26: {  	[smem:$0x3F9F] =	sst s1;
	(tag) =	ssettag s2;
	_ =	strace s9  }
0x27: {  	s1 =	sld [smem:$0x3FAF]  }
0x28: {  	s2 =	sld [smem:$0x3FB0]  }
0x29: {  	s4 =	sld [smem:$0x3FB2]  }
0x2a: {  	p0 =	seq.s32 s5, $0x0;
	s5 =	sld [smem:$0x3FB3]  }
0x2b: {  	s6 =	sld [smem:$0x3FB4]  }
0x2c: {  	s7 =	sld [smem:$0x3FB5]  }
0x2d: {  	s3 =	simm.s32 $0x108;
	s8 =	sld [smem:$0x3FB6]  }
0x2e: {  	s3 =	simm.s32 @!p0 $0x1082;
	s9 =	sld [smem:$0x3FB7]  }
0x2f: {  	lr =	sadd.s32 s0, s3;
	s0 =	sld [smem:$0x3FAE]  }
0x30: {  	s3 =	sld [smem:$0x3FB1]  }
0x31: {  	[smem:$0x3FBA] =	sst s10  }
0x32: {  	s10 =	sld [smem:$0x3FB8];
	_ =	sdelay $0x3  }
0x33: {  	p0 =	seq.s32 s10, $0x1;
	s10 =	sld [smem:$0x3FBA];
	_ =	sdelay $0x3  }
0x34: {  	[smem:$0x3FBA] =	sst s10  }
0x35: {  	s10 =	sld [smem:$0x3FB9];
	_ =	sdelay $0x3  }
0x36: {  	p1 =	seq.s32 s10, $0x1;
	s10 =	sld [smem:$0x3FBA];
	_ =	sdelay $0x3  }
0x37: {  	[smem:$0x3FBA] =	sst s10  }
0x38: {  	s10 =	sld [smem:$0x3FBB]  }
0x39: {  	_ = 	snop;
	(pc) =	sbr.ind lr, $3  }
0x3a: {  	_ = 	snop  }
0x3b: {  	_ = 	snop  }
0x3c: {  	p2 =	seq.s32 s10, $0x1;
	s10 =	sld [smem:$0x3FBA]  }
0x3d: {  	_ =	shalt  }
0x3e: {  	_ =	shalt  }
0x3f: {  	_ =	shalt  }
0x40: {  	_ =	shalt  }
0x41: {  	_ =	shalt  }
0x42: {  	_ =	shalt  }
0x43: {  	_ =	shalt  }
0x44: {  	_ =	shalt  }
0x45: {  	_ =	shalt  }
0x46: {  	_ =	shalt  }
0x47: {  	_ =	shalt  }
0x48: {  	_ =	shalt  }
0x49: {  	_ =	shalt  }
0x4a: {  	_ =	shalt  }
0x4b: {  	_ =	shalt  }
0x4c: {  	_ =	shalt  }
0x4d: {  	_ =	shalt  }
0x4e: {  	_ =	shalt  }
0x4f: {  	_ =	shalt  }
0x50: {  	_ =	shalt  }
0x51: {  	_ =	shalt  }
0x52: {  	_ =	shalt  }
0x53: {  	_ =	shalt  }
0x54: {  	_ =	shalt  }
0x55: {  	_ =	shalt  }
0x56: {  	_ =	shalt  }
0x57: {  	_ =	shalt  }
0x58: {  	_ =	shalt  }
0x59: {  	_ =	shalt  }
0x5a: {  	_ =	shalt  }
0x5b: {  	_ =	shalt  }
0x5c: {  	_ =	shalt  }
0x5d: {  	_ =	shalt  }
0x5e: {  	_ =	shalt  }
0x5f: {  	_ =	shalt  }
0x60: {  	_ =	shalt  }
0x61: {  	_ =	shalt  }
0x62: {  	_ =	shalt  }
0x63: {  	_ =	shalt  }
0x64: {  	_ =	shalt  }
0x65: {  	_ =	shalt  }
0x66: {  	_ =	shalt  }
0x67: {  	_ =	shalt  }
0x68: {  	_ =	shalt  }
0x69: {  	_ =	shalt  }
0x6a: {  	_ =	shalt  }
0x6b: {  	_ =	shalt  }
0x6c: {  	_ =	shalt  }
0x6d: {  	_ =	shalt  }
0x6e: {  	_ =	shalt  }
0x6f: {  	_ =	shalt  }
0x70: {  	_ =	shalt  }
0x71: {  	_ =	shalt  }
0x72: {  	_ =	shalt  }
0x73: {  	_ =	shalt  }
0x74: {  	_ =	shalt  }
0x75: {  	_ =	shalt  }
0x76: {  	_ =	shalt  }
0x77: {  	_ =	shalt  }
0x78: {  	_ =	shalt  }
0x79: {  	_ =	shalt  }
0x7a: {  	_ =	shalt  }
0x7b: {  	_ =	shalt  }
0x7c: {  	_ =	shalt  }
0x7d: {  	_ =	shalt  }
0x7e: {  	_ =	shalt  }
0x7f: {  	_ =	shalt  }
0x80: {  	_ =	shalt  }
0x81: {  	_ =	shalt  }
0x82: {  	_ =	shalt  }
0x83: {  	_ =	shalt  }
0x84: {  	_ =	shalt  }
0x85: {  	_ =	shalt  }
0x86: {  	_ =	shalt  }
0x87: {  	_ =	shalt  }
.Lfunc_end0:
.L_simem_size_0:
called_computation_lowered:
.L_overlay_start_0:
0x88: {  	s2 =	sld [smem:$0x3FD9]  }
0x89: {  	s3 =	sld [smem:$0x3FFE];
	_ =	sdelay $0x1  }
0x8a: {  	s1 =	srdreg.scid  }
0x8b: {  	s0 =	sand.u32 $0x1, s1  }
0x8c: {  	s15 =	sshll.u32 s0, $0xA;
	s2 =	sadd.s32 s3, s2  }
0x8d: {  	s2 =	sadd.s32 s2, s15  }
0x8e: {  	[smem:$0x3FC6] =	sst s2  }
0x8f: {  	_ = 	snop  }
0x90: {  	s2 =	sld [smem:$0x3FD0];
	_ =	sdelay $0x1  }
0x91: {  	s16 =	sld [smem:$0x3FC9]  }
0x92: {  	s5 =	simm.s32 $0xA;
	s6 =	simm.s32 $0x10;
	s4 =	sld [smem:$0x3FC8]  }
0x93: {  	[smem:s6], [sflag:s5] =	dma.local [hbm:s2], $0x1  }
0x94: {  	_ =	swait.eq [sflag:s5], $0x1  }
0x95: {  	[sflag:s5] =	ssyncset.done $0x0  }
0x96: {  	[sflag:s5] =	ssyncadd.s32 $0xFFFFFFFF  }
0x97: {  	s17 =	sld [smem:$0x11];
	(tm) =	ssettm $0x1  }
0x98: {  	s18 =	sld [smem:$0x3FFB];
	_ =	sdelay $0x3  }
0x99: {  	_ =	strace s18  }
0x9a: {  	s5 =	sld [smem:$0x3FFC];
	_ =	sdelay $0x3  }
0x9b: {  	_ =	strace s5  }
0x9c: {  	s5 =	sld [smem:$0x3FFD];
	_ =	sdelay $0x3  }
0x9d: {  	_ =	strace s5  }
0x9e: {  	_ =	strace $0x8FFFFFFF  }
0x9f: {  	s19 =	sld [smem:$0x3FDB];
	_ =	sdelay $0x1  }
0xa0: {  	s20 =	simm.s32 $_scs_section_size  }
0xa1: {  	s7 =	simm.s32 $_size__tile_overlayer_lowered;
	s8 =	simm.s32 $_tile_overlayer_lowered  }
0xa2: {  	s23 =	simm.s32 $0x1BFF;
	s22 =	sshll.u32 s8, $0x1;
	s5 =	sadd.s32 s20, s19  }
0xa3: {  	s9 =	simm.s32 $0x0;
	s21 =	sshll.u32 s7, $0x1;
	s7 =	sadd.s32 s22, s5  }
0xa4: {  	[timem:s9], [sflag:s23] =	dma.local [hbm:s7], s21  }
0xa5: {  	_ =	swait.ge [sflag:s23], s21  }
0xa6: {  	s6 =	ssub.s32 $0x0, s21;
	[sflag:s23] =	ssyncset.done $0x0  }
0xa7: {  	[sflag:s23] =	ssyncadd.s32 s6;
	_ =	sdelay $0x1  }
0xa8: {  	s24 =	simm.s32 $0x1B8B  }
0xa9: {  	_ =	swait.ge [sflag:s24], $0x1  }
0xaa: {  	[sflag:s24] =	ssyncset.done $0x0  }
0xab: {  	s25 =	simm.s32 $0x1B8E;
	[sflag:s24] =	ssyncadd.s32 $0xFFFFFFFF  }
0xac: {  	s26 =	simm.s32 $execute0_lowered;
	[smem:$0x3FD2] =	sst s25  }
0xad: {  	s6 =	sshll.u32 s26, $0x1;
	_ =	strace $0x80000046;
	[dreg:$0x1] =	wrdreg $0xFFFFFFFF  }
0xae: {  	s28 =	simm.s32 $_size_execute0_lowered;
	s5 =	sadd.s32 s5, s6;
	[dreg:$0x0] =	wrdreg $0x0  }
0xaf: {  	s6 =	sshll.u32 s28, $0x1;
	[dreg:$0x2] =	wrdreg s5  }
0xb0: {  	[dreg:$0x3] =	wrdreg s6  }
0xb1: {  	[dreg:$0x4] =	wrdreg $0xC0  }
0xb2: {  	_ =	task [dreg:s9], $0x5FFFF  }
0xb3: {  	[dreg:$0x1] =	wrdreg $0xFFFFFFFF  }
0xb4: {  	[dreg:$0x0] =	wrdreg $0x60  }
0xb5: {  	[dreg:$0x2] =	wrdreg s16  }
0xb6: {  	[dreg:$0x3] =	wrdreg s4  }
0xb7: {  	[dreg:$0x4] =	wrdreg s17  }
0xb8: {  	[dreg:$0x5] =	wrdreg $0x9  }
0xb9: {  	_ =	task.clear_ibuf [dreg:s9], $0x6FFFF;
	_ =	strace $0x90000046  }
0xba: {  	s29 =	simm.s32 $0x9;
	_ =	strace $0x80000048  }
0xbb: {  	_ =	swait.ge [sflag:s29], $0x1  }
0xbc: {  	[sflag:s29] =	ssyncadd.s32 $0xFFFFFFFF  }
0xbd: {  	_ =	strace $0x90000048  }
0xbe: {  	_ =	sfence  }
0xbf: {  	s30 =	sld [smem:$0x0];
	_ =	sdelay $0x2  }
0xc0: {  	s31 =	sshll.u32 s1, $0xD;
	s1 =	sshrl.u32 s1, $0x2  }
0xc1: {  	s3 =	sand.u32 $0x4000, s31;
	s1 =	sadd.s32 s1, s30  }
0xc2: {  	s0 =	sor.u32 s3, s0;
	s1 =	sshll.u32 s1, $0x11  }
0xc3: {  	s0 =	sor.u32 s1, s0  }
0xc4: {  	s0 =	sadd.s32 $0x8F2B, s0  }
0xc5: {  	[sflag:s0] =	ssyncadd.remote.s32 $0x1  }
0xc6: {  	_ =	sfence.sel $0xFFFF  }
0xc7: {  	[dreg:$0x0] =	wrdreg $0xFFFFFFFF;
	(pc) =	sbr.abs _section_cstart, $3  }
0xc8: {  	[dreg:$0x1] =	wrdreg $0xFFFFFFFF  }
0xc9: {  	_ =	task.clear_ibuf [dreg:s9], $0x2FFFF;
	_ =	strace $0x9FFFFFFF  }
0xca: {  	(tm) =	ssettm $0x7FFFFFFF  }
0xcb: {  	_ =	shalt  }
tec
execute0_lowered:
.L_overlay_start_1:
0x0: {  	(tag) =	ssettag $0x1  }
0x1: {  	s2 =	rddreg [dreg:$0x0]  }
0x2: {  	s0 =	srdreg.scid;
	s4 =	rddreg [dreg:$0x1]  }
0x3: {  	s1 =	stileid.u32;
	s5 =	rddreg [dreg:$0x2]  }
0x4: {  	s6 =	simm.s32 $0x0;
	s16 =	simm.s32 $0xF000;
	s17 =	simm.s32 $0x3000  }
0x5: {  	s18 =	simm.s32 $0x5;
	s19 =	simm.s32 $0x1;
	s0 =	sand.u32 $0x1, s0  }
0x6: {  	s20 =	simm.s32 $0x6000;
	s1 =	sshll.u32 s1, $0x9;
	s3 =	sshll.u32 s0, $0x8  }
0x7: {  	s21 =	simm.s32 $0x6;
	s22 =	simm.s32 $0x2;
	s3 =	sor.u32 s3, s1  }
0x8: {  	s23 =	simm.s32 $0x9000;
	s24 =	simm.s32 $0x3;
	s1 =	sshrl.u32 s3, $0x3  }
0x9: {  	s25 =	simm.s32 $0x4;
	s26 =	simm.s32 $0x0;
	s1 =	smul.u32 $0x1800, s1  }
0xa: {  	[smem:$0x7FF] =	sst s6;
	s14 =	sadd.s32 $0x600, s5;
	s0 =	ssub.s32 $0x2, s0  }
.Ltmp0:
0xb: {  	s7 =	sshrl.u32 s0, $0x1;
	s1 =	sshrl.u32 s1, $0x3;
	(pc) =	sbr.rel .LBB2_1-.Ltmp0, $4  }
0xc: {  	_ =	strace $0x80000047;
	s0 =	ssub.s32 s0, s7;
	s10 =	sadd.s32 s2, s1  }
0xd: {  	s11 =	sor.u32 $0x20, s3;
	s7 =	sadd.s32 s4, s1;
	s30 =	sadd.s32 $0x240000, s10  }
0xe: {  	s12 =	sor.u32 $0x30, s3;
	s31 =	sadd.s32 $0x600, s7;
	[dreg:$0x4] =	wrdreg s30  }
0xf: {  	s13 =	smax.u32 s0, $0x1;
	s10 =	sadd.s32 $0x240600, s10;
	[dreg:$0x5] =	wrdreg s31  }
.LBB2_8:
0x10: {  	s26 =	sadd.s32 $0x1, s26  }
0x11: {  	_ =	swait.ge [sflag:s24], $0x3000;
	p0 =	sne.s32 s26, s13  }
.Ltmp1:
0x12: {  	[sflag:s24] =	ssyncset.done $0x0;
	(pc) =	sbr.rel @!p0 .LBB2_9-.Ltmp1, $4  }
0x13: {  	[sflag:s24] =	ssyncadd.s32 $0xFFFFD000  }
0x14: {  	_ =	swait.ge [sflag:s25], $0x3000  }
0x15: {  	[sflag:s25] =	ssyncset.done $0x0  }
0x16: {  	[sflag:s25] =	ssyncadd.s32 $0xFFFFD000  }
.LBB2_1:
0x17: {  	s0 =	simm.s32 $0xC000  }
0x18: {  	[tilespmem:s0], [sflag:$0x5] =	stream.linear.gather [hbm4b:s7+s6], $0x3000, $0x38;
	[tilespmem:$0x12000] =	vst v63  }
0x19: {  	s30 =	rddreg [dreg:$0x4]  }
0x1a: {  	[tilespmem:s6], [sflag:$0x1] =	stream.linear.gather [hbm4b:s30+s6], $0x3000, $0x38;
	[tilespmem:$0x12000] =	vst v63  }
0x1b: {  	s31 =	rddreg [dreg:$0x5]  }
0x1c: {  	[tilespmem:s16], [sflag:$0x6] =	stream.linear.gather [hbm4b:s31+s6], $0x3000, $0x38;
	[tilespmem:$0x12000] =	vst v63  }
0x1d: {  	s28 =	simm.s32 $0x0  }
0x1e: {  	[tilespmem:s17], [sflag:$0x2] =	stream.linear.gather [hbm4b:s10+s6], $0x3000, $0x38;
	[tilespmem:$0x12000] =	vst v63  }
.LBB2_2:
0x1f: {  	_ =	swait.ge [sflag:s18], $0x3000  }
0x20: {  	[sflag:s18] =	ssyncset.done $0x0  }
0x21: {  	[sflag:s18] =	ssyncadd.s32 $0xFFFFD000  }
0x22: {  	p0 =	seq.s32 s28, $0x0;
	_ =	swait.ge [sflag:s19], $0x3000  }
0x23: {  	s30 =	simm.s32 $0x0;
	s29 =	simm.s32 $0x0;
	[sflag:s19] =	ssyncset.done $0x0  }
0x24: {  	s1 =	simm.s32 $0x0;
	s0 =	simm.s32 @!p0 $0x3;
	[sflag:s19] =	ssyncadd.s32 $0xFFFFD000  }
0x25: {  	s29 =	sand.u32 $0x1800, s29;
	s31 =	sand.u32 $0x1C00, s30;
	_ =	swait.ge @!p0 [sflag:s0], $0x3000  }
0x26: {  	s15 =	sand.u32 $0x70, s1;
	s29 =	sadd.s32 s31, s29;
	[sflag:s0] =	ssyncset.done @!p0 $0x0  }
0x27: {  	s31 =	sor.u32 s15, s29;
	[sflag:s0] =	ssyncadd.s32 @!p0 $0xFFFFD000  }
0x28: {  	v0 =	vld [tilespmem:s31+$0x380]  }
0x29: {  	v3 =	vld [tilespmem:s31+$0xC380]  }
0x2a: {  	v6 =	vld [tilespmem:s31+$0x0]  }
0x2b: {  	v7 =	vld [tilespmem:s31+$0xC000]  }
0x2c: {  	v2 =	vld [tilespmem:s31+$0x80]  }
0x2d: {  	v5 =	vld [tilespmem:s31+$0xC080]  }
0x2e: {  	v1 =	vld [tilespmem:s31+$0x100]  }
0x2f: {  	v4 =	vld [tilespmem:s31+$0xC100];
	v3 =	vadd.f32 v3, v0  }
0x30: {  	s29 =	sshll.u32 s28, $0x5;
	v0 =	vld [tilespmem:s31+$0x180];
	v6 =	vadd.f32 v7, v6  }
0x31: {  	s0 =	sor.u32 s3, s29;
	[tilespmem:s31+$0x6380] =	vst v3;
	v3 =	vld [tilespmem:s31+$0xC180]  }
.LBB2_3:
0x32: {  	s1 =	sadd.s32 $0x8, s1;
	[tilespmem:s31+$0x6000] =	vst v6;
	v2 =	vadd.f32 v5, v2;
	v5 =	vld [tilespmem:s31+$0x200]  }
0x33: {  	s15 =	sshll.u32 s1, $0x1C;
	p1 =	slt.u32 s1, $0x2F8;
	v6 =	vld [tilespmem:s31+$0xC200]  }
0x34: {  	s30 =	sadd.s32 $0x40, s30;
	s15 =	sshra.s32 s15, $0x1F;
	[tilespmem:s31+$0x6080] =	vst v2;
	v1 =	vadd.f32 v4, v1;
	v2 =	vld [tilespmem:s31+$0x280]  }
0x35: {  	s8 =	sand.u32 $0x1C00, s30;
	s15 =	sand.u32 $0x1800, s15;
	v4 =	vld [tilespmem:s31+$0xC280]  }
0x36: {  	s9 =	sand.u32 $0x70, s1;
	s8 =	sadd.s32 s8, s15;
	[tilespmem:s31+$0x6100] =	vst v1;
	v0 =	vadd.f32 v3, v0;
	v1 =	vld [tilespmem:s31+$0x300]  }
0x37: {  	s8 =	sor.u32 s9, s8;
	v3 =	vld [tilespmem:s31+$0xC300]  }
0x38: {  	v7 =	vld [tilespmem:s8+$0x380];
	[tilespmem:s31+$0x6180] =	vst v0;
	v0 =	vadd.f32 v6, v5  }
0x39: {  	v6 =	vld [tilespmem:s8+$0xC380]  }
0x3a: {  	v8 =	vld [tilespmem:s8+$0x0];
	[tilespmem:s31+$0x6200] =	vst v0;
	v0 =	vadd.f32 v4, v2  }
0x3b: {  	v9 =	vld [tilespmem:s8+$0xC000]  }
0x3c: {  	v2 =	vld [tilespmem:s8+$0x80];
	[tilespmem:s31+$0x6280] =	vst v0;
	v0 =	vadd.f32 v3, v1  }
.Ltmp2:
0x3d: {  	v5 =	vld [tilespmem:s8+$0xC080];
	(pc) =	sbr.rel @p1 .LBB2_3-.Ltmp2, $4  }
0x3e: {  	v1 =	vld [tilespmem:s8+$0x100];
	v3 =	vadd.f32 v6, v7;
	[tilespmem:s31+$0x6300] =	vst v0;
	s31 =	smov.u32 s8  }
0x3f: {  	v4 =	vld [tilespmem:s31+$0xC100]  }
0x40: {  	v6 =	vadd.f32 v9, v8;
	v0 =	vld [tilespmem:s31+$0x180];
	[tilespmem:s31+$0x6380] =	vst v3  }
0x41: {  	v3 =	vld [tilespmem:s31+$0xC180]  }
0x42: {  	v7 =	vld [tilespmem:s31+$0x200]  }
0x43: {  	v8 =	vld [tilespmem:s31+$0xC200]  }
0x44: {  	v9 =	vld [tilespmem:s31+$0x280]  }
0x45: {  	v10 =	vld [tilespmem:s31+$0xC280]  }
0x46: {  	v11 =	vld [tilespmem:s31+$0x300]  }
0x47: {  	v2 =	vadd.f32 v5, v2;
	v5 =	vld [tilespmem:s31+$0xC300]  }
0x48: {  	[tilespmem:s31+$0x6000] =	vst v6;
	v1 =	vadd.f32 v4, v1  }
0x49: {  	s0 =	sshrl.u32 s0, $0x3;
	p1 =	seq.s32 s28, $0x7;
	[tilespmem:s31+$0x6080] =	vst v2;
	v0 =	vadd.f32 v3, v0  }
0x4a: {  	s30 =	smul.u32 $0x300, s0;
	s0 =	sadd.s32 @!p1 s29, s11;
	[tilespmem:s31+$0x6100] =	vst v1;
	v1 =	vadd.f32 v8, v7  }
0x4b: {  	s0 =	sshrl.u32 @!p1 s0, $0x3;
	[tilespmem:s31+$0x6180] =	vst v0;
	v0 =	vadd.f32 v10, v9  }
0x4c: {  	s0 =	smul.u32 @!p1 $0x1800, s0;
	[tilespmem:s31+$0x6200] =	vst v1;
	v1 =	vadd.f32 v5, v11  }
0x4d: {  	[tilespmem:s31+$0x6280] =	vst v0  }
0x4e: {  	s1 =	sadd.s32 s5, s30;
	s0 =	sshrl.u32 @!p1 s0, $0x3;
	[tilespmem:s31+$0x6300] =	vst v1  }
0x4f: {  	[hbm4b:s1+s6] =	stream.linear.scatter [tilespmem:s20], [sflag:$0x3], $0x3000, $0x38;
	[tilespmem:$0x12000] =	vst v63  }
0x50: {  	s1 =	sadd.s32 @!p1 s2, s0  }
0x51: {  	s8 =	simm.s32 @!p1 $0x0;
	s1 =	sadd.s32 @!p1 $0x240000, s1  }
0x52: {  	[tilespmem:s8], [sflag:$0x1] =	stream.linear.gather @!p1 [hbm4b:s1+s8], $0x3000, $0x38;
	[tilespmem:$0x12000] =	vst v63  }
0x53: {  	s0 =	sadd.s32 @!p1 s4, s0;
	s1 =	simm.s32 @!p1 $0xC000  }
0x54: {  	[tilespmem:s1], [sflag:$0x5] =	stream.linear.gather @!p1 [hbm4b:s0+s8], $0x3000, $0x38;
	[tilespmem:$0x12000] =	vst v63  }
0x55: {  	_ =	swait.ge [sflag:s21], $0x3000  }
0x56: {  	[sflag:s21] =	ssyncset.done $0x0  }
0x57: {  	[sflag:s21] =	ssyncadd.s32 $0xFFFFD000  }
0x58: {  	s9 =	simm.s32 $0x0;
	_ =	swait.ge [sflag:s22], $0x3000  }
0x59: {  	s9 =	sand.u32 $0x1800, s9;
	[sflag:s22] =	ssyncset.done $0x0  }
0x5a: {  	s8 =	simm.s32 @!p0 $0x4;
	s1 =	simm.s32 $0x0;
	[sflag:s22] =	ssyncadd.s32 $0xFFFFD000  }
0x5b: {  	s0 =	simm.s32 $0x0;
	s15 =	sand.u32 $0x1C00, s1;
	_ =	swait.ge @!p0 [sflag:s8], $0x3000  }
0x5c: {  	s9 =	sadd.s32 s15, s9;
	s15 =	sand.u32 $0x70, s0;
	[sflag:s8] =	ssyncset.done @!p0 $0x0  }
0x5d: {  	s31 =	sor.u32 s15, s9;
	[sflag:s8] =	ssyncadd.s32 @!p0 $0xFFFFD000  }
0x5e: {  	v0 =	vld [tilespmem:s31+$0x3380]  }
0x5f: {  	v3 =	vld [tilespmem:s31+$0xF380]  }
0x60: {  	v6 =	vld [tilespmem:s31+$0x3000]  }
0x61: {  	v7 =	vld [tilespmem:s31+$0xF000]  }
0x62: {  	v2 =	vld [tilespmem:s31+$0x3080]  }
0x63: {  	v5 =	vld [tilespmem:s31+$0xF080]  }
0x64: {  	v1 =	vld [tilespmem:s31+$0x3100]  }
0x65: {  	v4 =	vld [tilespmem:s31+$0xF100];
	v3 =	vadd.f32 v3, v0  }
0x66: {  	v0 =	vld [tilespmem:s31+$0x3180];
	v6 =	vadd.f32 v7, v6  }
0x67: {  	[tilespmem:s31+$0x9380] =	vst v3;
	v3 =	vld [tilespmem:s31+$0xF180]  }
.LBB2_5:
0x68: {  	s0 =	sadd.s32 $0x8, s0;
	[tilespmem:s31+$0x9000] =	vst v6;
	v2 =	vadd.f32 v5, v2;
	v5 =	vld [tilespmem:s31+$0x3200]  }
0x69: {  	s8 =	sshll.u32 s0, $0x1C;
	p0 =	slt.u32 s0, $0x2F8;
	v6 =	vld [tilespmem:s31+$0xF200]  }
0x6a: {  	s1 =	sadd.s32 $0x40, s1;
	s8 =	sshra.s32 s8, $0x1F;
	[tilespmem:s31+$0x9080] =	vst v2;
	v1 =	vadd.f32 v4, v1;
	v2 =	vld [tilespmem:s31+$0x3280]  }
0x6b: {  	s9 =	sand.u32 $0x1C00, s1;
	s8 =	sand.u32 $0x1800, s8;
	v4 =	vld [tilespmem:s31+$0xF280]  }
0x6c: {  	s15 =	sand.u32 $0x70, s0;
	s8 =	sadd.s32 s9, s8;
	[tilespmem:s31+$0x9100] =	vst v1;
	v0 =	vadd.f32 v3, v0;
	v1 =	vld [tilespmem:s31+$0x3300]  }
0x6d: {  	s8 =	sor.u32 s15, s8;
	v3 =	vld [tilespmem:s31+$0xF300]  }
0x6e: {  	v7 =	vld [tilespmem:s8+$0x3380];
	[tilespmem:s31+$0x9180] =	vst v0;
	v0 =	vadd.f32 v6, v5  }
0x6f: {  	v6 =	vld [tilespmem:s8+$0xF380]  }
0x70: {  	v8 =	vld [tilespmem:s8+$0x3000];
	[tilespmem:s31+$0x9200] =	vst v0;
	v0 =	vadd.f32 v4, v2  }
0x71: {  	v9 =	vld [tilespmem:s8+$0xF000]  }
0x72: {  	v2 =	vld [tilespmem:s8+$0x3080];
	[tilespmem:s31+$0x9280] =	vst v0;
	v0 =	vadd.f32 v3, v1  }
.Ltmp3:
0x73: {  	v5 =	vld [tilespmem:s8+$0xF080];
	(pc) =	sbr.rel @p0 .LBB2_5-.Ltmp3, $4  }
0x74: {  	v1 =	vld [tilespmem:s8+$0x3100];
	v3 =	vadd.f32 v6, v7;
	[tilespmem:s31+$0x9300] =	vst v0;
	s31 =	smov.u32 s8  }
0x75: {  	v4 =	vld [tilespmem:s31+$0xF100]  }
0x76: {  	v6 =	vadd.f32 v9, v8;
	v0 =	vld [tilespmem:s31+$0x3180];
	[tilespmem:s31+$0x9380] =	vst v3  }
0x77: {  	v3 =	vld [tilespmem:s31+$0xF180]  }
0x78: {  	v7 =	vld [tilespmem:s31+$0x3200]  }
0x79: {  	v8 =	vld [tilespmem:s31+$0xF200]  }
0x7a: {  	v9 =	vld [tilespmem:s31+$0x3280]  }
0x7b: {  	v10 =	vld [tilespmem:s31+$0xF280]  }
0x7c: {  	v11 =	vld [tilespmem:s31+$0x3300]  }
0x7d: {  	v2 =	vadd.f32 v5, v2;
	v60 =	vld [tilespmem:s31+$0xF300]  }
0x7e: {  	[tilespmem:s31+$0x9000] =	vst v6;
	v1 =	vadd.f32 v4, v1  }
0x7f: {  	[tilespmem:s31+$0x9080] =	vst v2;
	v0 =	vadd.f32 v3, v0  }
0x80: {  	[tilespmem:s31+$0x9100] =	vst v1;
	v61 =	vadd.f32 v8, v7  }
.Ltmp4:
0x81: {  	v62 =	vadd.f32 v10, v9;
	[tilespmem:s31+$0x9180] =	vst v0;
	(pc) =	sbr.rel @p1 .LBB2_8-.Ltmp4, $4  }
0x82: {  	v63 =	vadd.f32 v60, v11;
	[tilespmem:s31+$0x9200] =	vst v61  }
0x83: {  	[tilespmem:s31+$0x9280] =	vst v62  }
0x84: {  	s0 =	sadd.s32 s14, s30;
	[tilespmem:s31+$0x9300] =	vst v63  }
0x85: {  	[hbm4b:s0+s6] =	stream.linear.scatter [tilespmem:s23], [sflag:$0x4], $0x3000, $0x38;
	[tilespmem:$0x12000] =	vst v63  }
0x86: {  	s0 =	sadd.s32 s29, s12  }
0x87: {  	s0 =	sshrl.u32 s0, $0x3  }
0x88: {  	s0 =	smul.u32 $0x1800, s0;
	_ =	sdelay $0x1  }
0x89: {  	s0 =	sshrl.u32 s0, $0x3  }
.Ltmp5:
0x8a: {  	s1 =	sadd.s32 s2, s0;
	(pc) =	sbr.rel .LBB2_2-.Ltmp5, $4  }
0x8b: {  	s1 =	sadd.s32 $0x240000, s1  }
0x8c: {  	[tilespmem:s17], [sflag:$0x2] =	stream.linear.gather [hbm4b:s1+s6], $0x3000, $0x38;
	[tilespmem:$0x12000] =	vst v63  }
0x8d: {  	s28 =	sadd.s32 $0x1, s28;
	s0 =	sadd.s32 s4, s0  }
0x8e: {  	[tilespmem:s16], [sflag:$0x6] =	stream.linear.gather [hbm4b:s0+s6], $0x3000, $0x38;
	[tilespmem:$0x12000] =	vst v63  }
.LBB2_9:
0x8f: {  	_ =	sfence.sel $0x180000  }
0x90: {  	[bflag:$0x0] =	sbarrier.arrive $0xFFFF  }
0x91: {  	_ =	strace $0x90000047  }
0x92: {  	s0 =	stileid.u32;
	[bflag:$0x2] =	sbarrier.arrive $0xFFFF  }
0x93: {  	p0 =	sne.s32 s0, $0x0;
	s0 =	rddreg [dreg:$0x3]  }
0x94: {  	s0 =	sadd.s32 @!p0 $0x100000, s0  }
0x95: {  	[sflag:s0] =	ssyncadd.tile.s32 @!p0 $0x1;
	_ =	shalt  }
.Lfunc_end2:
_tile_overlayer_lowered:
.L_overlay_start_2:
0x96: {  	(tag) =	ssettag $0x2  }
0x97: {  	s0 =	rddreg [dreg:$0x0];
	s2 =	stileid.u32  }
0x98: {  	s1 =	rddreg [dreg:$0x1];
	p0 =	sne.s32 s2, $0x0  }
0x99: {  	s3 =	rddreg [dreg:$0x2];
	[bflag:$0x3] =	sbarrier.arrive $0xFFFF;
	s2 =	simm.s32 @!p0 $0x1C07  }
0x9a: {  	[timem:s3], [sflag:s2] =	dma.local @!p0 [hbm:s0], s1  }
0x9b: {  	s0 =	simm.s32 @!p0 $0x7  }
0x9c: {  	_ =	swait.ge @!p0 [sflag:s0], s1  }
0x9d: {  	s1 =	ssub.s32 @!p0 $0x0, s1;
	[sflag:s0] =	ssyncset.done @!p0 $0x0  }
0x9e: {  	[sflag:s0] =	ssyncadd.s32 @!p0 s1  }
0x9f: {  	[bflag:$0x3] =	sbarrier.arrive $0xFFFF  }
0xa0: {  	_ =	shalt  }

</sc_bundles>
